<compile_context>
chip_gen: v7x
topology: tpu7x:2x2x1
jax: 0.10.2.dev20260603
libtpu: 0.0.44.dev20260713+nightly
codegen_flags: <defaults>
</compile_context>

<pallas_src>
import functools

import jax
import jax.numpy as jnp
from jax import lax
from jax.experimental import pallas as pl
from jax.experimental.pallas import tpu as pltpu
from jax.experimental.pallas import tpu_sc as plsc

_NEG_RATIO = 3.0
_EPS = 1e-06

_R = 2048
_C = 1024
_BR = 128
_GRID = _R // _BR

_NB = 4096
_SHIFT = 19

_NC = 2
_NS = 16
_NW = _NC * _NS
_PER_W = (_R * _C) // _NW
_CHUNK = 4096
_NCHUNK = _PER_W // _CHUNK


def _bce_body(x_ref, g_ref, m_ref, nl_ref, acc_ref, out_ref):
    i = pl.program_id(0)

    @pl.when(i == 0)
    def _init():
        acc_ref[0] = 0.0
        acc_ref[1] = 0.0
        acc_ref[2] = 0.0
        acc_ref[3] = 0.0

    x = x_ref[:, 0]
    g = g_ref[:, 0]
    m = m_ref[:, 0]
    loss = jnp.maximum(x, 0.0) - x * g + jnp.log(1.0 + jnp.exp(-jnp.abs(x)))
    pos = g * m
    neg_loss = loss * (m - pos)
    acc_ref[0] += jnp.sum(pos)
    acc_ref[1] += jnp.sum(m)
    acc_ref[2] += jnp.sum(loss * pos)
    acc_ref[3] += jnp.sum(neg_loss)
    nl_ref[...] = neg_loss

    @pl.when(i == 3)
    def _finish():
        pos_f = acc_ref[0]
        neg_f = acc_ref[1] - pos_f
        neg_i = neg_f.astype(jnp.int32)
        k_i = jnp.minimum(neg_i, (pos_f * _NEG_RATIO).astype(jnp.int32))
        k_f = k_i.astype(jnp.float32)
        top = jnp.where(k_i > 0, acc_ref[3], 0.0)
        out_ref[0] = (acc_ref[2] + top) / (pos_f + k_f + _EPS)


def _bce_pass(x, g, m):
    return pl.pallas_call(
        _bce_body,
        grid=(4,),
        in_specs=[
            pl.BlockSpec((2, 1, 512, 512), lambda i: (i, 0, 0, 0)),
            pl.BlockSpec((2, 1, 512, 512), lambda i: (i, 0, 0, 0)),
            pl.BlockSpec((2, 1, 512, 512), lambda i: (i, 0, 0, 0)),
        ],
        out_specs=[
            pl.BlockSpec((2, 512, 512), lambda i: (i, 0, 0)),
            pl.BlockSpec(memory_space=pltpu.SMEM),
            pl.BlockSpec(memory_space=pltpu.SMEM),
        ],
        out_shape=[
            jax.ShapeDtypeStruct((8, 512, 512), jnp.float32),
            jax.ShapeDtypeStruct((4,), jnp.float32),
            jax.ShapeDtypeStruct((1,), jnp.float32),
        ],
        compiler_params=pltpu.CompilerParams(
            dimension_semantics=("arbitrary",),
        ),
    )(x, g, m)


_sc_mesh = plsc.VectorSubcoreMesh(core_axis_name="c", subcore_axis_name="s")


@functools.partial(
    pl.kernel,
    mesh=_sc_mesh,
    out_type=[
        jax.ShapeDtypeStruct((_NW, _NB), jnp.float32),
        jax.ShapeDtypeStruct((_NW, _NB), jnp.float32),
    ],
    scratch_types=[
        pltpu.VMEM((_CHUNK,), jnp.float32),
        pltpu.VMEM((_NB,), jnp.float32),
        pltpu.VMEM((_NB,), jnp.float32),
    ],
    compiler_params=pltpu.CompilerParams(needs_layout_passes=False),
)
def _sc_hist(nl_hbm, cnt_hbm, sum_hbm, buf_v, hcnt_v, hsum_v):
    wid = lax.axis_index("s") * _NC + lax.axis_index("c")
    base = wid * _PER_W
    zeros16 = jnp.zeros((16,), jnp.float32)
    ones16 = jnp.ones((16,), jnp.float32)
    shift16 = jnp.full((16,), _SHIFT, jnp.int32)

    def _zero(i, carry):
        hcnt_v[pl.ds(i * 16, 16)] = zeros16
        hsum_v[pl.ds(i * 16, 16)] = zeros16
        return carry

    lax.fori_loop(0, _NB // 16, _zero, 0)

    def _chunk(c, carry):
        pltpu.sync_copy(nl_hbm.at[pl.ds(base + c * _CHUNK, _CHUNK)], buf_v)

        def _inner(i, icarry):
            b0 = i * 64
            for u in range(4):
                v = buf_v[pl.ds(b0 + u * 16, 16)]
                bits = plsc.bitcast(v, jnp.int32)
                bin_ = lax.shift_right_logical(bits, shift16)
                msk = v > 0.0
                plsc.addupdate_scatter(hcnt_v, [bin_], ones16, mask=msk)
                plsc.addupdate_scatter(hsum_v, [bin_], v, mask=msk)
            return icarry

        lax.fori_loop(0, _CHUNK // 64, _inner, 0)
        return carry

    lax.fori_loop(0, _NCHUNK, _chunk, 0)
    pltpu.sync_copy(hcnt_v, cnt_hbm.at[wid])
    pltpu.sync_copy(hsum_v, sum_hbm.at[wid])


def _fin_body(cnt_ref, sum_ref, acc_ref, out_ref):
    H = cnt_ref[...]
    S = sum_ref[...]
    pos_f = acc_ref[0]
    m_f = acc_ref[1]
    pos_sum = acc_ref[2]
    neg_f = m_f - pos_f
    neg_i = neg_f.astype(jnp.int32)
    k_i = jnp.minimum(neg_i, (pos_f * _NEG_RATIO).astype(jnp.int32))
    k_f = k_i.astype(jnp.float32)

    bins = lax.broadcasted_iota(jnp.int32, (_NW, _NB), 1)
    tot_cnt = jnp.sum(H)
    tot_sum = jnp.sum(S)

    def _bs(j, lo):
        cand = lo + (jnp.int32(1) << (11 - j))
        sc = jnp.sum(jnp.where(bins >= cand, H, 0.0))
        return jnp.where(sc >= k_f, cand, lo)

    bstar = lax.fori_loop(0, 12, _bs, jnp.int32(0))
    above = bins > bstar
    at = bins == bstar
    cnt_above = jnp.sum(jnp.where(above, H, 0.0))
    sum_above = jnp.sum(jnp.where(above, S, 0.0))
    Hb = jnp.sum(jnp.where(at, H, 0.0))
    Sb = jnp.sum(jnp.where(at, S, 0.0))
    take = k_f - cnt_above
    top_sel = sum_above + take * (Sb / jnp.maximum(Hb, 1.0))
    top = jnp.where(k_f >= tot_cnt, tot_sum, top_sel)
    top = jnp.where(k_i > 0, top, 0.0)
    out_ref[0] = (pos_sum + top) / (pos_f + k_f + _EPS)


def _finalize(hcnt, hsum, acc):
    return pl.pallas_call(
        _fin_body,
        in_specs=[
            pl.BlockSpec(memory_space=pltpu.VMEM),
            pl.BlockSpec(memory_space=pltpu.VMEM),
            pl.BlockSpec(memory_space=pltpu.SMEM),
        ],
        out_specs=pl.BlockSpec(memory_space=pltpu.SMEM),
        out_shape=jax.ShapeDtypeStruct((1,), jnp.float32),
    )(hcnt, hsum, acc)


def kernel(pred_logits, gt, mask):
    neg_loss, acc, fast_out = _bce_pass(pred_logits, gt, mask)
    pos_f = acc[0]
    neg_f = acc[1] - pos_f
    neg_i = neg_f.astype(jnp.int32)
    k_i = jnp.minimum(neg_i, (pos_f * _NEG_RATIO).astype(jnp.int32))
    need_select = jnp.logical_and(k_i > 0, k_i < neg_i)

    def _select_path(_):
        nl = lax.optimization_barrier(neg_loss)
        hcnt, hsum = _sc_hist(nl.reshape(-1))
        return _finalize(hcnt, hsum, acc).reshape(())

    def _fast_path(_):
        return fast_out.reshape(())

    return lax.cond(need_select, _select_path, _fast_path, operand=None)

# --- scband reference (transcript-rebuilt; emitter-appended) ---
"""Pipeline reference for scband-balance-cross-entropy-loss-395136991435 (READ-ONLY COPY).

The authoritative reference and input builder live on the scoring server;
editing this copy changes nothing except your own understanding.
"""

import jax, jax.numpy as jnp
import numpy as np

NEGATIVE_RATIO = 3.0
EPS = 1e-06


def _bce_with_logits(x, t):
    # numerically stable binary_cross_entropy_with_logits, reduction='none'
    return jnp.maximum(x, 0.0) - x * t + jnp.log1p(jnp.exp(-jnp.abs(x)))


def setup_inputs(seed: int = 0) -> dict:
    key = jax.random.key(seed)
    k1, k2, k3 = jax.random.split(key, 3)
    shape = (8, 1, 512, 512)
    pred_logits = jax.random.normal(k1, shape, dtype=jnp.float32)
    gt = jax.random.randint(k2, shape, 0, 2).astype(jnp.float32)
    mask = jax.random.randint(k3, shape, 0, 2).astype(jnp.float32)
    return {"pred_logits": pred_logits, "gt": gt, "mask": mask}


def reference(pred_logits, gt, mask):
    positive = (gt * mask).astype(jnp.uint8)
    negative = ((1.0 - gt) * mask).astype(jnp.uint8)
    positive_count = positive.astype(jnp.float32).sum().astype(jnp.int32)
    negative_count = jnp.minimum(
        negative.astype(jnp.float32).sum().astype(jnp.int32),
        (positive_count.astype(jnp.float32) * NEGATIVE_RATIO).astype(jnp.int32))
    loss = _bce_with_logits(pred_logits, gt)
    positive_loss = loss * positive.astype(jnp.float32)
    negative_loss = loss * negative.astype(jnp.float32)
    flat_negative_loss = negative_loss.reshape(-1)
    n = flat_negative_loss.shape[0]
    top_neg_all, _ = jax.lax.top_k(flat_negative_loss, n)
    select = jnp.arange(n) < negative_count
    top_neg_sum = jnp.where(select, top_neg_all, 0.0).sum()
    balance_loss = (positive_loss.sum() + top_neg_sum) / (
        positive_count.astype(jnp.float32) +
        negative_count.astype(jnp.float32) + EPS)
    return balance_loss

if __name__ == "__main__":
    import jax
    _d = setup_inputs()
    print(jax.jit(kernel)(*tuple(_d.values())))

</pallas_src>

<mosaic_0001>
#map = affine_map<(d0, d1) -> (0)>
#map1 = affine_map<(d0, d1) -> (0, 0)>
module attributes {stable_mosaic.version = 14 : i64} {
  func.func @_sc_hist(%arg0: i32, %arg1: i32, %arg2: memref<2097152xf32, #tpu.memory_space<hbm>>, %arg3: memref<32x4096xf32, #tpu.memory_space<hbm>>, %arg4: memref<32x4096xf32, #tpu.memory_space<hbm>>, %arg5: memref<4096xf32, #tpu.memory_space<vmem>>, %arg6: memref<4096xf32, #tpu.memory_space<vmem>>, %arg7: memref<4096xf32, #tpu.memory_space<vmem>>) attributes {dimension_semantics = [#tpu.dimension_semantics<core_parallel>, #tpu.dimension_semantics<subcore_parallel>], iteration_bounds = array<i64: 2, 16>, scalar_prefetch = 0 : i64, scratch_operands = 3 : i64, tpu.core_type = #tpu.core_type<sc_vector_subcore>, window_params = [{transform_indices = #map}, {transform_indices = #map1}, {transform_indices = #map1}]} {
    %mul3A = arith.constant 2 : i32
    %mul3A_0 = arith.muli %arg1, %mul3A : i32
    %add3A = arith.addi %mul3A_0, %arg0 : i32
    %mul3A_1 = arith.constant 65536 : i32
    %mul3A_2 = arith.muli %add3A, %mul3A_1 : i32
    %broadcast_in_dim3A = arith.constant 0.000000e+00 : f32
    %broadcast_in_dim3A_3 = vector.broadcast %broadcast_in_dim3A : f32 to vector<16xf32>
    %broadcast_in_dim3A_4 = arith.constant 1.000000e+00 : f32
    %broadcast_in_dim3A_5 = vector.broadcast %broadcast_in_dim3A_4 : f32 to vector<16xf32>
    %broadcast_in_dim3A_6 = arith.constant 19 : i32
    %broadcast_in_dim3A_7 = vector.broadcast %broadcast_in_dim3A_6 : i32 to vector<16xi32>
    %scan3A = arith.constant 0 : i32
    %scan3A_8 = arith.constant 0 : i32
    %scan3A_9 = arith.constant 256 : i32
    %scan3A_10 = arith.addi %scan3A_8, %scan3A_9 : i32
    %scan3A_11 = arith.constant 1 : i32
    scf.for %scan3A_19 = %scan3A_8 to %scan3A_10 step %scan3A_11  : i32 {
      %mul3A_20 = arith.constant 16 : i32
      %mul3A_21 = arith.muli %scan3A_19, %mul3A_20 : i32
      %swap3A = arith.index_cast %mul3A_21 : i32 to index
      %swap3A_22 = tpu.vector_load %arg6[%swap3A] {strides = array<i32>} : memref<4096xf32, #tpu.memory_space<vmem>>, vector<16xf32>,
      tpu.vector_store %arg6[%swap3A], %broadcast_in_dim3A_3 {strides = array<i32>} : memref<4096xf32, #tpu.memory_space<vmem>>, vector<16xf32>,
      %mul3A_23 = arith.constant 16 : i32
      %mul3A_24 = arith.muli %scan3A_19, %mul3A_23 : i32
      %swap3A_25 = arith.index_cast %mul3A_24 : i32 to index
      %swap3A_26 = tpu.vector_load %arg7[%swap3A_25] {strides = array<i32>} : memref<4096xf32, #tpu.memory_space<vmem>>, vector<16xf32>,
      tpu.vector_store %arg7[%swap3A_25], %broadcast_in_dim3A_3 {strides = array<i32>} : memref<4096xf32, #tpu.memory_space<vmem>>, vector<16xf32>,
    }
    %scan3A_12 = arith.constant 256 : i32
    %scan3A_13 = arith.constant 0 : i32
    %scan3A_14 = arith.constant 0 : i32
    %scan3A_15 = arith.constant 16 : i32
    %scan3A_16 = arith.addi %scan3A_14, %scan3A_15 : i32
    %scan3A_17 = arith.constant 1 : i32
    scf.for %scan3A_19 = %scan3A_14 to %scan3A_16 step %scan3A_17  : i32 {
      %mul3A_20 = arith.constant 4096 : i32
      %mul3A_21 = arith.muli %scan3A_19, %mul3A_20 : i32
      %add3A_22 = arith.addi %mul3A_2, %mul3A_21 : i32
      "tpu.region"() ({
        %run_scoped3A = tpu.sem_alloc : memref<!tpu.dma_semaphore, #tpu.memory_space<semaphore_mem>>
        %dma_start3A = tpu.memref_slice %arg2[%add3A_22] : memref<2097152xf32, #tpu.memory_space<hbm>> -> memref<4096xf32, #tpu.memory_space<hbm>>
        %dma_start3A_29 = tpu.memref_slice %arg2[%add3A_22] : memref<2097152xf32, #tpu.memory_space<hbm>> -> memref<4096xf32, #tpu.memory_space<hbm>>
        tpu.enqueue_dma source(%dma_start3A_29 : memref<4096xf32, #tpu.memory_space<hbm>>) target(%arg5 : memref<4096xf32, #tpu.memory_space<vmem>>) target_semaphore(%run_scoped3A : memref<!tpu.dma_semaphore, #tpu.memory_space<semaphore_mem>>)
        %dma_wait3A = tpu.memref_slice %arg2[%add3A_22] : memref<2097152xf32, #tpu.memory_space<hbm>> -> memref<4096xf32, #tpu.memory_space<hbm>>
        %dma_wait3A_30 = tpu.memref_slice %arg2[%add3A_22] : memref<2097152xf32, #tpu.memory_space<hbm>> -> memref<4096xf32, #tpu.memory_space<hbm>>
        tpu.wait_dma2 semaphore(%run_scoped3A : memref<!tpu.dma_semaphore, #tpu.memory_space<semaphore_mem>>) src(%dma_wait3A_30 : memref<4096xf32, #tpu.memory_space<hbm>>) dst(%arg5 : memref<4096xf32, #tpu.memory_space<vmem>>)
        tpu.yield
      }) : () -> ()
      %scan3A_23 = arith.constant 0 : i32
      %scan3A_24 = arith.constant 0 : i32
      %scan3A_25 = arith.constant 64 : i32
      %scan3A_26 = arith.addi %scan3A_24, %scan3A_25 : i32
      %scan3A_27 = arith.constant 1 : i32
      scf.for %scan3A_29 = %scan3A_24 to %scan3A_26 step %scan3A_27  : i32 {
        %mul3A_30 = arith.constant 64 : i32
        %mul3A_31 = arith.muli %scan3A_29, %mul3A_30 : i32
        %add3A_32 = arith.constant 0 : i32
        %add3A_33 = arith.addi %mul3A_31, %add3A_32 : i32
        %get3A = arith.index_cast %add3A_33 : i32 to index
        %get3A_34 = tpu.vector_load %arg5[%get3A] {strides = array<i32>} : memref<4096xf32, #tpu.memory_space<vmem>>, vector<16xf32>,
        %bitcast3A = vector.bitcast %get3A_34 : vector<16xf32> to vector<16xi32>
        %shift_right_logical3A = arith.shrui %bitcast3A, %broadcast_in_dim3A_7 : vector<16xi32>
        %gt3A = arith.constant 0.000000e+00 : f32
        %gt3A_35 = vector.broadcast %gt3A : f32 to vector<16xf32>
        %gt3A_36 = arith.cmpf ogt, %get3A_34, %gt3A_35 : vector<16xf32>
        tpu.vector_store_idx %arg6[%shift_right_logical3A], %broadcast_in_dim3A_5 masked %gt3A_36 {add = true} : memref<4096xf32, #tpu.memory_space<vmem>>[vector<16xi32>], vector<16xf32>, vector<16xi1>
        tpu.vector_store_idx %arg7[%shift_right_logical3A], %get3A_34 masked %gt3A_36 {add = true} : memref<4096xf32, #tpu.memory_space<vmem>>[vector<16xi32>], vector<16xf32>, vector<16xi1>
        %add3A_37 = arith.constant 16 : i32
        %add3A_38 = arith.addi %mul3A_31, %add3A_37 : i32
        %get3A_39 = arith.index_cast %add3A_38 : i32 to index
        %get3A_40 = tpu.vector_load %arg5[%get3A_39] {strides = array<i32>} : memref<4096xf32, #tpu.memory_space<vmem>>, vector<16xf32>,
        %bitcast3A_41 = vector.bitcast %get3A_40 : vector<16xf32> to vector<16xi32>
        %shift_right_logical3A_42 = arith.shrui %bitcast3A_41, %broadcast_in_dim3A_7 : vector<16xi32>
        %gt3A_43 = arith.constant 0.000000e+00 : f32
        %gt3A_44 = vector.broadcast %gt3A_43 : f32 to vector<16xf32>
        %gt3A_45 = arith.cmpf ogt, %get3A_40, %gt3A_44 : vector<16xf32>
        tpu.vector_store_idx %arg6[%shift_right_logical3A_42], %broadcast_in_dim3A_5 masked %gt3A_45 {add = true} : memref<4096xf32, #tpu.memory_space<vmem>>[vector<16xi32>], vector<16xf32>, vector<16xi1>
        tpu.vector_store_idx %arg7[%shift_right_logical3A_42], %get3A_40 masked %gt3A_45 {add = true} : memref<4096xf32, #tpu.memory_space<vmem>>[vector<16xi32>], vector<16xf32>, vector<16xi1>
        %add3A_46 = arith.constant 32 : i32
        %add3A_47 = arith.addi %mul3A_31, %add3A_46 : i32
        %get3A_48 = arith.index_cast %add3A_47 : i32 to index
        %get3A_49 = tpu.vector_load %arg5[%get3A_48] {strides = array<i32>} : memref<4096xf32, #tpu.memory_space<vmem>>, vector<16xf32>,
        %bitcast3A_50 = vector.bitcast %get3A_49 : vector<16xf32> to vector<16xi32>
        %shift_right_logical3A_51 = arith.shrui %bitcast3A_50, %broadcast_in_dim3A_7 : vector<16xi32>
        %gt3A_52 = arith.constant 0.000000e+00 : f32
        %gt3A_53 = vector.broadcast %gt3A_52 : f32 to vector<16xf32>
        %gt3A_54 = arith.cmpf ogt, %get3A_49, %gt3A_53 : vector<16xf32>
        tpu.vector_store_idx %arg6[%shift_right_logical3A_51], %broadcast_in_dim3A_5 masked %gt3A_54 {add = true} : memref<4096xf32, #tpu.memory_space<vmem>>[vector<16xi32>], vector<16xf32>, vector<16xi1>
        tpu.vector_store_idx %arg7[%shift_right_logical3A_51], %get3A_49 masked %gt3A_54 {add = true} : memref<4096xf32, #tpu.memory_space<vmem>>[vector<16xi32>], vector<16xf32>, vector<16xi1>
        %add3A_55 = arith.constant 48 : i32
        %add3A_56 = arith.addi %mul3A_31, %add3A_55 : i32
        %get3A_57 = arith.index_cast %add3A_56 : i32 to index
        %get3A_58 = tpu.vector_load %arg5[%get3A_57] {strides = array<i32>} : memref<4096xf32, #tpu.memory_space<vmem>>, vector<16xf32>,
        %bitcast3A_59 = vector.bitcast %get3A_58 : vector<16xf32> to vector<16xi32>
        %shift_right_logical3A_60 = arith.shrui %bitcast3A_59, %broadcast_in_dim3A_7 : vector<16xi32>
        %gt3A_61 = arith.constant 0.000000e+00 : f32
        %gt3A_62 = vector.broadcast %gt3A_61 : f32 to vector<16xf32>
        %gt3A_63 = arith.cmpf ogt, %get3A_58, %gt3A_62 : vector<16xf32>
        tpu.vector_store_idx %arg6[%shift_right_logical3A_60], %broadcast_in_dim3A_5 masked %gt3A_63 {add = true} : memref<4096xf32, #tpu.memory_space<vmem>>[vector<16xi32>], vector<16xf32>, vector<16xi1>
        tpu.vector_store_idx %arg7[%shift_right_logical3A_60], %get3A_58 masked %gt3A_63 {add = true} : memref<4096xf32, #tpu.memory_space<vmem>>[vector<16xi32>], vector<16xf32>, vector<16xi1>
      }
      %scan3A_28 = arith.constant 64 : i32
    }
    %scan3A_18 = arith.constant 16 : i32
    "tpu.region"() ({
      %run_scoped3A = tpu.sem_alloc : memref<!tpu.dma_semaphore, #tpu.memory_space<semaphore_mem>>
      %dma_start3A = arith.constant 0 : i32
      %dma_start3A_19 = tpu.memref_slice %arg3[%add3A, %dma_start3A] : memref<32x4096xf32, #tpu.memory_space<hbm>> -> memref<1x4096xf32, #tpu.memory_space<hbm>>
      %dma_start3A_20 = tpu.memref_squeeze %dma_start3A_19 : memref<1x4096xf32, #tpu.memory_space<hbm>> -> memref<4096xf32, #tpu.memory_space<hbm>>
      %dma_start3A_21 = arith.constant 0 : i32
      %dma_start3A_22 = tpu.memref_slice %arg3[%add3A, %dma_start3A_21] : memref<32x4096xf32, #tpu.memory_space<hbm>> -> memref<1x4096xf32, #tpu.memory_space<hbm>>
      %dma_start3A_23 = tpu.memref_squeeze %dma_start3A_22 : memref<1x4096xf32, #tpu.memory_space<hbm>> -> memref<4096xf32, #tpu.memory_space<hbm>>
      tpu.enqueue_dma source(%arg6 : memref<4096xf32, #tpu.memory_space<vmem>>) target(%dma_start3A_23 : memref<4096xf32, #tpu.memory_space<hbm>>) target_semaphore(%run_scoped3A : memref<!tpu.dma_semaphore, #tpu.memory_space<semaphore_mem>>)
      %dma_wait3A = arith.constant 0 : i32
      %dma_wait3A_24 = tpu.memref_slice %arg3[%add3A, %dma_wait3A] : memref<32x4096xf32, #tpu.memory_space<hbm>> -> memref<1x4096xf32, #tpu.memory_space<hbm>>
      %dma_wait3A_25 = tpu.memref_squeeze %dma_wait3A_24 : memref<1x4096xf32, #tpu.memory_space<hbm>> -> memref<4096xf32, #tpu.memory_space<hbm>>
      %dma_wait3A_26 = arith.constant 0 : i32
      %dma_wait3A_27 = tpu.memref_slice %arg3[%add3A, %dma_wait3A_26] : memref<32x4096xf32, #tpu.memory_space<hbm>> -> memref<1x4096xf32, #tpu.memory_space<hbm>>
      %dma_wait3A_28 = tpu.memref_squeeze %dma_wait3A_27 : memref<1x4096xf32, #tpu.memory_space<hbm>> -> memref<4096xf32, #tpu.memory_space<hbm>>
      tpu.wait_dma2 semaphore(%run_scoped3A : memref<!tpu.dma_semaphore, #tpu.memory_space<semaphore_mem>>) src(%arg6 : memref<4096xf32, #tpu.memory_space<vmem>>) dst(%dma_wait3A_28 : memref<4096xf32, #tpu.memory_space<hbm>>)
      tpu.yield
    }) : () -> ()
    "tpu.region"() ({
      %run_scoped3A = tpu.sem_alloc : memref<!tpu.dma_semaphore, #tpu.memory_space<semaphore_mem>>
      %dma_start3A = arith.constant 0 : i32
      %dma_start3A_19 = tpu.memref_slice %arg4[%add3A, %dma_start3A] : memref<32x4096xf32, #tpu.memory_space<hbm>> -> memref<1x4096xf32, #tpu.memory_space<hbm>>
      %dma_start3A_20 = tpu.memref_squeeze %dma_start3A_19 : memref<1x4096xf32, #tpu.memory_space<hbm>> -> memref<4096xf32, #tpu.memory_space<hbm>>
      %dma_start3A_21 = arith.constant 0 : i32
      %dma_start3A_22 = tpu.memref_slice %arg4[%add3A, %dma_start3A_21] : memref<32x4096xf32, #tpu.memory_space<hbm>> -> memref<1x4096xf32, #tpu.memory_space<hbm>>
      %dma_start3A_23 = tpu.memref_squeeze %dma_start3A_22 : memref<1x4096xf32, #tpu.memory_space<hbm>> -> memref<4096xf32, #tpu.memory_space<hbm>>
      tpu.enqueue_dma source(%arg7 : memref<4096xf32, #tpu.memory_space<vmem>>) target(%dma_start3A_23 : memref<4096xf32, #tpu.memory_space<hbm>>) target_semaphore(%run_scoped3A : memref<!tpu.dma_semaphore, #tpu.memory_space<semaphore_mem>>)
      %dma_wait3A = arith.constant 0 : i32
      %dma_wait3A_24 = tpu.memref_slice %arg4[%add3A, %dma_wait3A] : memref<32x4096xf32, #tpu.memory_space<hbm>> -> memref<1x4096xf32, #tpu.memory_space<hbm>>
      %dma_wait3A_25 = tpu.memref_squeeze %dma_wait3A_24 : memref<1x4096xf32, #tpu.memory_space<hbm>> -> memref<4096xf32, #tpu.memory_space<hbm>>
      %dma_wait3A_26 = arith.constant 0 : i32
      %dma_wait3A_27 = tpu.memref_slice %arg4[%add3A, %dma_wait3A_26] : memref<32x4096xf32, #tpu.memory_space<hbm>> -> memref<1x4096xf32, #tpu.memory_space<hbm>>
      %dma_wait3A_28 = tpu.memref_squeeze %dma_wait3A_27 : memref<1x4096xf32, #tpu.memory_space<hbm>> -> memref<4096xf32, #tpu.memory_space<hbm>>
      tpu.wait_dma2 semaphore(%run_scoped3A : memref<!tpu.dma_semaphore, #tpu.memory_space<semaphore_mem>>) src(%arg7 : memref<4096xf32, #tpu.memory_space<vmem>>) dst(%dma_wait3A_28 : memref<4096xf32, #tpu.memory_space<hbm>>)
      tpu.yield
    }) : () -> ()
    return
  }
}

module attributes {stable_mosaic.version = 14 : i64} {
  func.func @_bce_body(%arg0: i32, %arg1: memref<2x1x512x512xf32, #tpu.memory_space<vmem>>, %arg2: memref<2x1x512x512xf32, #tpu.memory_space<vmem>>, %arg3: memref<2x1x512x512xf32, #tpu.memory_space<vmem>>, %arg4: memref<2x512x512xf32, #tpu.memory_space<vmem>>, %arg5: memref<4xf32, #tpu.memory_space<smem>>, %arg6: memref<1xf32, #tpu.memory_space<smem>>) attributes {dimension_semantics = [#tpu.dimension_semantics<arbitrary>], iteration_bounds = array<i64: 4>, scalar_prefetch = 0 : i64, scratch_operands = 0 : i64, tpu.core_type = #tpu.core_type<tc>, window_params = [{transform_indices = @transform_0, window_bounds = array<i64: 2, 1, 512, 512>}, {transform_indices = @transform_1, window_bounds = array<i64: 2, 1, 512, 512>}, {transform_indices = @transform_2, window_bounds = array<i64: 2, 1, 512, 512>}, {transform_indices = @transform_3, window_bounds = array<i64: 2, 512, 512>}, {transform_indices = @transform_4, window_bounds = array<i64: 4>}, {transform_indices = @transform_5, window_bounds = array<i64: 1>}]} {
    %eq3A = arith.constant 0 : i32
    %eq3A_0 = arith.cmpi eq, %arg0, %eq3A : i32
    %convert_element_type3A = arith.extui %eq3A_0 : i1 to i32
    %cond3A = arith.constant 0 : i32
    %cond3A_1 = arith.cmpi ne, %convert_element_type3A, %cond3A : i32
    scf.if %cond3A_1 {
      %swap3A_77 = arith.constant 0.000000e+00 : f32
      %swap3A_78 = arith.constant 0 : index
      %swap3A_79 = memref.load %arg5[%swap3A_78] : memref<4xf32, #tpu.memory_space<smem>>
      memref.store %swap3A_77, %arg5[%swap3A_78] : memref<4xf32, #tpu.memory_space<smem>>
      %swap3A_80 = arith.constant 0.000000e+00 : f32
      %swap3A_81 = arith.constant 1 : index
      %swap3A_82 = memref.load %arg5[%swap3A_81] : memref<4xf32, #tpu.memory_space<smem>>
      memref.store %swap3A_80, %arg5[%swap3A_81] : memref<4xf32, #tpu.memory_space<smem>>
      %swap3A_83 = arith.constant 0.000000e+00 : f32
      %swap3A_84 = arith.constant 2 : index
      %swap3A_85 = memref.load %arg5[%swap3A_84] : memref<4xf32, #tpu.memory_space<smem>>
      memref.store %swap3A_83, %arg5[%swap3A_84] : memref<4xf32, #tpu.memory_space<smem>>
      %swap3A_86 = arith.constant 0.000000e+00 : f32
      %swap3A_87 = arith.constant 3 : index
      %swap3A_88 = memref.load %arg5[%swap3A_87] : memref<4xf32, #tpu.memory_space<smem>>
      memref.store %swap3A_86, %arg5[%swap3A_87] : memref<4xf32, #tpu.memory_space<smem>>
    } else {
    }
    %get3A = arith.constant 0 : index
    %get3A_2 = arith.constant 0 : index
    %get3A_3 = arith.constant 0 : index
    %get3A_4 = arith.constant 0 : index
    %get3A_5 = vector.load %arg1[%get3A, %get3A_2, %get3A_3, %get3A_4] : memref<2x1x512x512xf32, #tpu.memory_space<vmem>>, vector<2x1x512x512xf32>
    %get3A_6 = vector.shape_cast %get3A_5 : vector<2x1x512x512xf32> to vector<2x512x512xf32>
    %get3A_7 = arith.constant 0 : index
    %get3A_8 = arith.constant 0 : index
    %get3A_9 = arith.constant 0 : index
    %get3A_10 = arith.constant 0 : index
    %get3A_11 = vector.load %arg2[%get3A_7, %get3A_8, %get3A_9, %get3A_10] : memref<2x1x512x512xf32, #tpu.memory_space<vmem>>, vector<2x1x512x512xf32>
    %get3A_12 = vector.shape_cast %get3A_11 : vector<2x1x512x512xf32> to vector<2x512x512xf32>
    %get3A_13 = arith.constant 0 : index
    %get3A_14 = arith.constant 0 : index
    %get3A_15 = arith.constant 0 : index
    %get3A_16 = arith.constant 0 : index
    %get3A_17 = vector.load %arg3[%get3A_13, %get3A_14, %get3A_15, %get3A_16] : memref<2x1x512x512xf32, #tpu.memory_space<vmem>>, vector<2x1x512x512xf32>
    %get3A_18 = vector.shape_cast %get3A_17 : vector<2x1x512x512xf32> to vector<2x512x512xf32>
    %max3A = arith.constant 0.000000e+00 : f32
    %max3A_19 = vector.broadcast %max3A : f32 to vector<2x512x512xf32>
    %max3A_20 = arith.maximumf %get3A_6, %max3A_19 : vector<2x512x512xf32>
    %mul3A = arith.mulf %get3A_6, %get3A_12 : vector<2x512x512xf32>
    %sub3A = arith.subf %max3A_20, %mul3A : vector<2x512x512xf32>
    %abs3A = math.absf %get3A_6 : vector<2x512x512xf32>
    %neg3A = arith.constant 0.000000e+00 : f32
    %neg3A_21 = vector.broadcast %neg3A : f32 to vector<2x512x512xf32>
    %neg3A_22 = arith.subf %neg3A_21, %abs3A : vector<2x512x512xf32>
    %exp3A = math.exp %neg3A_22 : vector<2x512x512xf32>
    %add3A = arith.constant 1.000000e+00 : f32
    %add3A_23 = vector.broadcast %add3A : f32 to vector<2x512x512xf32>
    %add3A_24 = arith.addf %add3A_23, %exp3A : vector<2x512x512xf32>
    %log3A = math.log %add3A_24 : vector<2x512x512xf32>
    %add3A_25 = arith.addf %sub3A, %log3A : vector<2x512x512xf32>
    %mul3A_26 = arith.mulf %get3A_12, %get3A_18 : vector<2x512x512xf32>
    %sub3A_27 = arith.subf %get3A_18, %mul3A_26 : vector<2x512x512xf32>
    %mul3A_28 = arith.mulf %add3A_25, %sub3A_27 : vector<2x512x512xf32>
    %get3A_29 = arith.constant 0 : index
    %get3A_30 = memref.load %arg5[%get3A_29] : memref<4xf32, #tpu.memory_space<smem>>
    %reduce_sum3A = vector.shape_cast %mul3A_26 : vector<2x512x512xf32> to vector<1x2x512x512xf32>
    %reduce_sum3A_31 = arith.constant dense<0.000000e+00> : vector<1xf32>
    %reduce_sum3A_32 = vector.multi_reduction <add>, %reduce_sum3A, %reduce_sum3A_31 [1, 2, 3] : vector<1x2x512x512xf32> to vector<1xf32>
    %reduce_sum3A_33 = vector.shape_cast %reduce_sum3A_32 : vector<1xf32> to vector<1x1x1x1xf32>
    %reduce_sum3A_34 = vector.extract %reduce_sum3A_33[0, 0, 0, 0] : f32 from vector<1x1x1x1xf32>
    %add3A_35 = arith.addf %get3A_30, %reduce_sum3A_34 : f32
    %swap3A = arith.constant 0 : index
    %swap3A_36 = memref.load %arg5[%swap3A] : memref<4xf32, #tpu.memory_space<smem>>
    memref.store %add3A_35, %arg5[%swap3A] : memref<4xf32, #tpu.memory_space<smem>>
    %get3A_37 = arith.constant 1 : index
    %get3A_38 = memref.load %arg5[%get3A_37] : memref<4xf32, #tpu.memory_space<smem>>
    %reduce_sum3A_39 = vector.shape_cast %get3A_18 : vector<2x512x512xf32> to vector<1x2x512x512xf32>
    %reduce_sum3A_40 = arith.constant dense<0.000000e+00> : vector<1xf32>
    %reduce_sum3A_41 = vector.multi_reduction <add>, %reduce_sum3A_39, %reduce_sum3A_40 [1, 2, 3] : vector<1x2x512x512xf32> to vector<1xf32>
    %reduce_sum3A_42 = vector.shape_cast %reduce_sum3A_41 : vector<1xf32> to vector<1x1x1x1xf32>
    %reduce_sum3A_43 = vector.extract %reduce_sum3A_42[0, 0, 0, 0] : f32 from vector<1x1x1x1xf32>
    %add3A_44 = arith.addf %get3A_38, %reduce_sum3A_43 : f32
    %swap3A_45 = arith.constant 1 : index
    %swap3A_46 = memref.load %arg5[%swap3A_45] : memref<4xf32, #tpu.memory_space<smem>>
    memref.store %add3A_44, %arg5[%swap3A_45] : memref<4xf32, #tpu.memory_space<smem>>
    %get3A_47 = arith.constant 2 : index
    %get3A_48 = memref.load %arg5[%get3A_47] : memref<4xf32, #tpu.memory_space<smem>>
    %mul3A_49 = arith.mulf %add3A_25, %mul3A_26 : vector<2x512x512xf32>
    %reduce_sum3A_50 = vector.shape_cast %mul3A_49 : vector<2x512x512xf32> to vector<1x2x512x512xf32>
    %reduce_sum3A_51 = arith.constant dense<0.000000e+00> : vector<1xf32>
    %reduce_sum3A_52 = vector.multi_reduction <add>, %reduce_sum3A_50, %reduce_sum3A_51 [1, 2, 3] : vector<1x2x512x512xf32> to vector<1xf32>
    %reduce_sum3A_53 = vector.shape_cast %reduce_sum3A_52 : vector<1xf32> to vector<1x1x1x1xf32>
    %reduce_sum3A_54 = vector.extract %reduce_sum3A_53[0, 0, 0, 0] : f32 from vector<1x1x1x1xf32>
    %add3A_55 = arith.addf %get3A_48, %reduce_sum3A_54 : f32
    %swap3A_56 = arith.constant 2 : index
    %swap3A_57 = memref.load %arg5[%swap3A_56] : memref<4xf32, #tpu.memory_space<smem>>
    memref.store %add3A_55, %arg5[%swap3A_56] : memref<4xf32, #tpu.memory_space<smem>>
    %get3A_58 = arith.constant 3 : index
    %get3A_59 = memref.load %arg5[%get3A_58] : memref<4xf32, #tpu.memory_space<smem>>
    %reduce_sum3A_60 = vector.shape_cast %mul3A_28 : vector<2x512x512xf32> to vector<1x2x512x512xf32>
    %reduce_sum3A_61 = arith.constant dense<0.000000e+00> : vector<1xf32>
    %reduce_sum3A_62 = vector.multi_reduction <add>, %reduce_sum3A_60, %reduce_sum3A_61 [1, 2, 3] : vector<1x2x512x512xf32> to vector<1xf32>
    %reduce_sum3A_63 = vector.shape_cast %reduce_sum3A_62 : vector<1xf32> to vector<1x1x1x1xf32>
    %reduce_sum3A_64 = vector.extract %reduce_sum3A_63[0, 0, 0, 0] : f32 from vector<1x1x1x1xf32>
    %add3A_65 = arith.addf %get3A_59, %reduce_sum3A_64 : f32
    %swap3A_66 = arith.constant 3 : index
    %swap3A_67 = memref.load %arg5[%swap3A_66] : memref<4xf32, #tpu.memory_space<smem>>
    memref.store %add3A_65, %arg5[%swap3A_66] : memref<4xf32, #tpu.memory_space<smem>>
    %swap3A_68 = arith.constant 0 : index
    %swap3A_69 = arith.constant 0 : index
    %swap3A_70 = arith.constant 0 : index
    %swap3A_71 = vector.load %arg4[%swap3A_68, %swap3A_69, %swap3A_70] : memref<2x512x512xf32, #tpu.memory_space<vmem>>, vector<2x512x512xf32>
    tpu.vector_store %arg4[%swap3A_68, %swap3A_69, %swap3A_70], %mul3A_28 {strides = array<i32>} : memref<2x512x512xf32, #tpu.memory_space<vmem>>, vector<2x512x512xf32>,
    %eq3A_72 = arith.constant 3 : i32
    %eq3A_73 = arith.cmpi eq, %arg0, %eq3A_72 : i32
    %convert_element_type3A_74 = arith.extui %eq3A_73 : i1 to i32
    %cond3A_75 = arith.constant 0 : i32
    %cond3A_76 = arith.cmpi ne, %convert_element_type3A_74, %cond3A_75 : i32
    scf.if %cond3A_76 {
      %get3A_77 = arith.constant 0 : index
      %get3A_78 = memref.load %arg5[%get3A_77] : memref<4xf32, #tpu.memory_space<smem>>
      %get3A_79 = arith.constant 1 : index
      %get3A_80 = memref.load %arg5[%get3A_79] : memref<4xf32, #tpu.memory_space<smem>>
      %sub3A_81 = arith.subf %get3A_80, %get3A_78 : f32
      %convert_element_type3A_82 = arith.fptosi %sub3A_81 : f32 to i32
      %mul3A_83 = arith.constant 3.000000e+00 : f32
      %mul3A_84 = arith.mulf %get3A_78, %mul3A_83 : f32
      %convert_element_type3A_85 = arith.fptosi %mul3A_84 : f32 to i32
      %min3A = arith.minsi %convert_element_type3A_82, %convert_element_type3A_85 : i32
      %convert_element_type3A_86 = arith.sitofp %min3A : i32 to f32
      %gt3A = arith.constant 0 : i32
      %gt3A_87 = arith.cmpi sgt, %min3A, %gt3A : i32
      %get3A_88 = arith.constant 3 : index
      %get3A_89 = memref.load %arg5[%get3A_88] : memref<4xf32, #tpu.memory_space<smem>>
      %jit3A = arith.constant 0.000000e+00 : f32
      %select_n3A = arith.select %gt3A_87, %get3A_89, %jit3A : f32
      %get3A_90 = arith.constant 2 : index
      %get3A_91 = memref.load %arg5[%get3A_90] : memref<4xf32, #tpu.memory_space<smem>>
      %add3A_92 = arith.addf %get3A_91, %select_n3A : f32
      %add3A_93 = arith.addf %get3A_78, %convert_element_type3A_86 : f32
      %add3A_94 = arith.constant 9.99999997E-7 : f32
      %add3A_95 = arith.addf %add3A_93, %add3A_94 : f32
      %div3A = arith.divf %add3A_92, %add3A_95 : f32
      %swap3A_96 = arith.constant 0 : index
      %swap3A_97 = memref.load %arg6[%swap3A_96] : memref<1xf32, #tpu.memory_space<smem>>
      memref.store %div3A, %arg6[%swap3A_96] : memref<1xf32, #tpu.memory_space<smem>>
    } else {
    }
    return
  }
  func.func @transform_0(%arg0: i32) -> (i32, i32, i32, i32) {
    %c0_i32 = arith.constant 0 : i32
    %c0_i32_0 = arith.constant 0 : i32
    %c0_i32_1 = arith.constant 0 : i32
    %c0_i32_2 = arith.constant 0 : i32
    return %arg0, %c0_i32, %c0_i32_0, %c0_i32_1 : i32, i32, i32, i32
  }
  func.func @transform_1(%arg0: i32) -> (i32, i32, i32, i32) {
    %c0_i32 = arith.constant 0 : i32
    %c0_i32_0 = arith.constant 0 : i32
    %c0_i32_1 = arith.constant 0 : i32
    %c0_i32_2 = arith.constant 0 : i32
    return %arg0, %c0_i32, %c0_i32_0, %c0_i32_1 : i32, i32, i32, i32
  }
  func.func @transform_2(%arg0: i32) -> (i32, i32, i32, i32) {
    %c0_i32 = arith.constant 0 : i32
    %c0_i32_0 = arith.constant 0 : i32
    %c0_i32_1 = arith.constant 0 : i32
    %c0_i32_2 = arith.constant 0 : i32
    return %arg0, %c0_i32, %c0_i32_0, %c0_i32_1 : i32, i32, i32, i32
  }
  func.func @transform_3(%arg0: i32) -> (i32, i32, i32) {
    %c0_i32 = arith.constant 0 : i32
    %c0_i32_0 = arith.constant 0 : i32
    %c0_i32_1 = arith.constant 0 : i32
    return %arg0, %c0_i32, %c0_i32_0 : i32, i32, i32
  }
  func.func @transform_4(%arg0: i32) -> i32 {
    %c0_i32 = arith.constant 0 : i32
    %c0_i32_0 = arith.constant 0 : i32
    return %c0_i32 : i32
  }
  func.func @transform_5(%arg0: i32) -> i32 {
    %c0_i32 = arith.constant 0 : i32
    %c0_i32_0 = arith.constant 0 : i32
    return %c0_i32 : i32
  }
}

module attributes {stable_mosaic.version = 14 : i64} {
  func.func @_fin_body(%arg0: memref<32x4096xf32, #tpu.memory_space<vmem>>, %arg1: memref<32x4096xf32, #tpu.memory_space<vmem>>, %arg2: memref<4xf32, #tpu.memory_space<smem>>, %arg3: memref<1xf32, #tpu.memory_space<smem>>) attributes {dimension_semantics = [], scalar_prefetch = 0 : i64, scratch_operands = 0 : i64, tpu.core_type = #tpu.core_type<tc>} {
    %get3A = arith.constant 0 : index
    %get3A_0 = arith.constant 0 : index
    %get3A_1 = vector.load %arg0[%get3A, %get3A_0] : memref<32x4096xf32, #tpu.memory_space<vmem>>, vector<32x4096xf32>
    %get3A_2 = arith.constant 0 : index
    %get3A_3 = arith.constant 0 : index
    %get3A_4 = vector.load %arg1[%get3A_2, %get3A_3] : memref<32x4096xf32, #tpu.memory_space<vmem>>, vector<32x4096xf32>
    %get3A_5 = arith.constant 0 : index
    %get3A_6 = memref.load %arg2[%get3A_5] : memref<4xf32, #tpu.memory_space<smem>>
    %get3A_7 = arith.constant 1 : index
    %get3A_8 = memref.load %arg2[%get3A_7] : memref<4xf32, #tpu.memory_space<smem>>
    %get3A_9 = arith.constant 2 : index
    %get3A_10 = memref.load %arg2[%get3A_9] : memref<4xf32, #tpu.memory_space<smem>>
    %sub3A = arith.subf %get3A_8, %get3A_6 : f32
    %convert_element_type3A = arith.fptosi %sub3A : f32 to i32
    %mul3A = arith.constant 3.000000e+00 : f32
    %mul3A_11 = arith.mulf %get3A_6, %mul3A : f32
    %convert_element_type3A_12 = arith.fptosi %mul3A_11 : f32 to i32
    %min3A = arith.minsi %convert_element_type3A, %convert_element_type3A_12 : i32
    %convert_element_type3A_13 = arith.sitofp %min3A : i32 to f32
    %iota3A = tpu.iota {dimensions = array<i32: 1>} : vector<32x4096xi32>
    %reduce_sum3A = vector.shape_cast %get3A_1 : vector<32x4096xf32> to vector<1x32x4096xf32>
    %reduce_sum3A_14 = arith.constant dense<0.000000e+00> : vector<1xf32>
    %reduce_sum3A_15 = vector.multi_reduction <add>, %reduce_sum3A, %reduce_sum3A_14 [1, 2] : vector<1x32x4096xf32> to vector<1xf32>
    %reduce_sum3A_16 = vector.shape_cast %reduce_sum3A_15 : vector<1xf32> to vector<1x1x1xf32>
    %reduce_sum3A_17 = vector.extract %reduce_sum3A_16[0, 0, 0] : f32 from vector<1x1x1xf32>
    %reduce_sum3A_18 = vector.shape_cast %get3A_4 : vector<32x4096xf32> to vector<1x32x4096xf32>
    %reduce_sum3A_19 = arith.constant dense<0.000000e+00> : vector<1xf32>
    %reduce_sum3A_20 = vector.multi_reduction <add>, %reduce_sum3A_18, %reduce_sum3A_19 [1, 2] : vector<1x32x4096xf32> to vector<1xf32>
    %reduce_sum3A_21 = vector.shape_cast %reduce_sum3A_20 : vector<1xf32> to vector<1x1x1xf32>
    %reduce_sum3A_22 = vector.extract %reduce_sum3A_21[0, 0, 0] : f32 from vector<1x1x1xf32>
    %scan3A = arith.constant 0 : i32
    %scan3A_23 = arith.constant 0 : i32
    %scan3A_24 = arith.constant 12 : i32
    %scan3A_25 = arith.addi %scan3A_23, %scan3A_24 : i32
    %scan3A_26 = arith.constant 1 : i32
    %scan3A_27 = scf.for %scan3A_74 = %scan3A_23 to %scan3A_25 step %scan3A_26 iter_args(%scan3A_75 = %scan3A) -> (i32)  : i32 {
      %sub3A_76 = arith.constant 11 : i32
      %sub3A_77 = arith.subi %sub3A_76, %scan3A_74 : i32
      %shift_left3A = arith.constant 1 : i32
      %shift_left3A_78 = arith.shli %shift_left3A, %sub3A_77 : i32
      %add3A_79 = arith.addi %scan3A_75, %shift_left3A_78 : i32
      %ge3A_80 = vector.broadcast %add3A_79 : i32 to vector<32x4096xi32>
      %ge3A_81 = arith.cmpi sge, %iota3A, %ge3A_80 : vector<32x4096xi32>
      %jit3A_82 = arith.constant 0.000000e+00 : f32
      %broadcast_in_dim3A_83 = vector.broadcast %jit3A_82 : f32 to vector<32x4096xf32>
      %select_n3A_84 = arith.select %ge3A_81, %get3A_1, %broadcast_in_dim3A_83 : vector<32x4096xi1>, vector<32x4096xf32>
      %reduce_sum3A_85 = vector.shape_cast %select_n3A_84 : vector<32x4096xf32> to vector<1x32x4096xf32>
      %reduce_sum3A_86 = arith.constant dense<0.000000e+00> : vector<1xf32>
      %reduce_sum3A_87 = vector.multi_reduction <add>, %reduce_sum3A_85, %reduce_sum3A_86 [1, 2] : vector<1x32x4096xf32> to vector<1xf32>
      %reduce_sum3A_88 = vector.shape_cast %reduce_sum3A_87 : vector<1xf32> to vector<1x1x1xf32>
      %reduce_sum3A_89 = vector.extract %reduce_sum3A_88[0, 0, 0] : f32 from vector<1x1x1xf32>
      %ge3A_90 = arith.cmpf oge, %reduce_sum3A_89, %convert_element_type3A_13 : f32
      %select_n3A_91 = arith.select %ge3A_90, %add3A_79, %scan3A_75 : i32
      scf.yield %select_n3A_91 : i32
    }
    %scan3A_28 = arith.constant 12 : i32
    %gt3A = vector.broadcast %scan3A_27 : i32 to vector<32x4096xi32>
    %gt3A_29 = arith.cmpi sgt, %iota3A, %gt3A : vector<32x4096xi32>
    %eq3A = vector.broadcast %scan3A_27 : i32 to vector<32x4096xi32>
    %eq3A_30 = arith.cmpi eq, %iota3A, %eq3A : vector<32x4096xi32>
    %jit3A = arith.constant 0.000000e+00 : f32
    %broadcast_in_dim3A = vector.broadcast %jit3A : f32 to vector<32x4096xf32>
    %select_n3A = arith.select %gt3A_29, %get3A_1, %broadcast_in_dim3A : vector<32x4096xi1>, vector<32x4096xf32>
    %reduce_sum3A_31 = vector.shape_cast %select_n3A : vector<32x4096xf32> to vector<1x32x4096xf32>
    %reduce_sum3A_32 = arith.constant dense<0.000000e+00> : vector<1xf32>
    %reduce_sum3A_33 = vector.multi_reduction <add>, %reduce_sum3A_31, %reduce_sum3A_32 [1, 2] : vector<1x32x4096xf32> to vector<1xf32>
    %reduce_sum3A_34 = vector.shape_cast %reduce_sum3A_33 : vector<1xf32> to vector<1x1x1xf32>
    %reduce_sum3A_35 = vector.extract %reduce_sum3A_34[0, 0, 0] : f32 from vector<1x1x1xf32>
    %jit3A_36 = arith.constant 0.000000e+00 : f32
    %broadcast_in_dim3A_37 = vector.broadcast %jit3A_36 : f32 to vector<32x4096xf32>
    %select_n3A_38 = arith.select %gt3A_29, %get3A_4, %broadcast_in_dim3A_37 : vector<32x4096xi1>, vector<32x4096xf32>
    %reduce_sum3A_39 = vector.shape_cast %select_n3A_38 : vector<32x4096xf32> to vector<1x32x4096xf32>
    %reduce_sum3A_40 = arith.constant dense<0.000000e+00> : vector<1xf32>
    %reduce_sum3A_41 = vector.multi_reduction <add>, %reduce_sum3A_39, %reduce_sum3A_40 [1, 2] : vector<1x32x4096xf32> to vector<1xf32>
    %reduce_sum3A_42 = vector.shape_cast %reduce_sum3A_41 : vector<1xf32> to vector<1x1x1xf32>
    %reduce_sum3A_43 = vector.extract %reduce_sum3A_42[0, 0, 0] : f32 from vector<1x1x1xf32>
    %jit3A_44 = arith.constant 0.000000e+00 : f32
    %broadcast_in_dim3A_45 = vector.broadcast %jit3A_44 : f32 to vector<32x4096xf32>
    %select_n3A_46 = arith.select %eq3A_30, %get3A_1, %broadcast_in_dim3A_45 : vector<32x4096xi1>, vector<32x4096xf32>
    %reduce_sum3A_47 = vector.shape_cast %select_n3A_46 : vector<32x4096xf32> to vector<1x32x4096xf32>
    %reduce_sum3A_48 = arith.constant dense<0.000000e+00> : vector<1xf32>
    %reduce_sum3A_49 = vector.multi_reduction <add>, %reduce_sum3A_47, %reduce_sum3A_48 [1, 2] : vector<1x32x4096xf32> to vector<1xf32>
    %reduce_sum3A_50 = vector.shape_cast %reduce_sum3A_49 : vector<1xf32> to vector<1x1x1xf32>
    %reduce_sum3A_51 = vector.extract %reduce_sum3A_50[0, 0, 0] : f32 from vector<1x1x1xf32>
    %jit3A_52 = arith.constant 0.000000e+00 : f32
    %broadcast_in_dim3A_53 = vector.broadcast %jit3A_52 : f32 to vector<32x4096xf32>
    %select_n3A_54 = arith.select %eq3A_30, %get3A_4, %broadcast_in_dim3A_53 : vector<32x4096xi1>, vector<32x4096xf32>
    %reduce_sum3A_55 = vector.shape_cast %select_n3A_54 : vector<32x4096xf32> to vector<1x32x4096xf32>
    %reduce_sum3A_56 = arith.constant dense<0.000000e+00> : vector<1xf32>
    %reduce_sum3A_57 = vector.multi_reduction <add>, %reduce_sum3A_55, %reduce_sum3A_56 [1, 2] : vector<1x32x4096xf32> to vector<1xf32>
    %reduce_sum3A_58 = vector.shape_cast %reduce_sum3A_57 : vector<1xf32> to vector<1x1x1xf32>
    %reduce_sum3A_59 = vector.extract %reduce_sum3A_58[0, 0, 0] : f32 from vector<1x1x1xf32>
    %sub3A_60 = arith.subf %convert_element_type3A_13, %reduce_sum3A_35 : f32
    %max3A = arith.constant 1.000000e+00 : f32
    %max3A_61 = arith.maximumf %reduce_sum3A_51, %max3A : f32
    %div3A = arith.divf %reduce_sum3A_59, %max3A_61 : f32
    %mul3A_62 = arith.mulf %sub3A_60, %div3A : f32
    %add3A = arith.addf %reduce_sum3A_43, %mul3A_62 : f32
    %ge3A = arith.cmpf oge, %convert_element_type3A_13, %reduce_sum3A_17 : f32
    %select_n3A_63 = arith.select %ge3A, %reduce_sum3A_22, %add3A : f32
    %gt3A_64 = arith.constant 0 : i32
    %gt3A_65 = arith.cmpi sgt, %min3A, %gt3A_64 : i32
    %jit3A_66 = arith.constant 0.000000e+00 : f32
    %select_n3A_67 = arith.select %gt3A_65, %select_n3A_63, %jit3A_66 : f32
    %add3A_68 = arith.addf %get3A_10, %select_n3A_67 : f32
    %add3A_69 = arith.addf %get3A_6, %convert_element_type3A_13 : f32
    %add3A_70 = arith.constant 9.99999997E-7 : f32
    %add3A_71 = arith.addf %add3A_69, %add3A_70 : f32
    %div3A_72 = arith.divf %add3A_68, %add3A_71 : f32
    %swap3A = arith.constant 0 : index
    %swap3A_73 = memref.load %arg3[%swap3A] : memref<1xf32, #tpu.memory_space<smem>>
    memref.store %div3A_72, %arg3[%swap3A] : memref<1xf32, #tpu.memory_space<smem>>
    return
  }
}

</mosaic_0001>

<sc_bundles>
// kernel: branch_1_fun.4.cloned.1.call-start
scs
__scs_entry_jumppad:
0x0: {  	(pc) =	sbr.rel $0x88, $3  }
0x1: {  	(tag) =	ssettag $0x0;
	lr =	simm.s32 $0x1  }
0x2: {  	[smem:$0x3F9E] =	sst lr;
	_ =	strace $0xD0000000  }
0x3: {  	_ = 	snop  }
0x4: {  	_ = 	snop  }
0x5: {  	_ = 	snop  }
0x6: {  	_ = 	snop  }
0x7: {  	_ = 	snop  }
__scs_overlays_trampoline_lowered:
0x8: {  	[smem:$0x3FAD] =	sst s0  }
0x9: {  	[smem:$0x3FAE] =	sst s1  }
0xa: {  	[smem:$0x3FAF] =	sst s2  }
0xb: {  	[smem:$0x3FB0] =	sst s3  }
0xc: {  	[smem:$0x3FB1] =	sst s4  }
0xd: {  	[smem:$0x3FB2] =	sst s5  }
0xe: {  	[smem:$0x3FB3] =	sst s6  }
0xf: {  	[smem:$0x3FB4] =	sst s7  }
0x10: {  	[smem:$0x3FB5] =	sst s8  }
0x11: {  	[smem:$0x3FB6] =	sst s9;
	s0 =	simm.s32 @!p0 $0x0  }
0x12: {  	s1 =	sld [smem:$0x3F9C];
	s0 =	simm.s32 @p0 $0x1  }
0x13: {  	[smem:$0x3FB7] =	sst s0;
	s0 =	simm.s32 @!p1 $0x0  }
0x14: {  	s2 =	sld [smem:$0x3F9B];
	s0 =	simm.s32 @p1 $0x1  }
0x15: {  	[smem:$0x3FB8] =	sst s0;
	s0 =	simm.s32 @!p2 $0x0  }
0x16: {  	s3 =	sld [smem:$0x3FDB];
	s0 =	simm.s32 @p2 $0x1  }
0x17: {  	s4 =	simm.s32 $0x1BF5;
	[smem:$0x3FBA] =	sst s0  }
0x18: {  	s0 =	sld [smem:$0x3F9D];
	_ =	swait.ge [sflag:s4], $0x0  }
0x19: {  	s7 =	sld [smem:$0x3F9E]  }
0x1a: {  	s8 =	sadd.s32 $0xFFFFE003, lr  }
0x1b: {  	s9 =	sadd.s32 $0xFFFFFEF7, lr;
	s5 =	simm.s32 $0xFFFFFFFF;
	p2 =	slt.u32 s8, $0xFFFFF086  }
0x1c: {  	p1 =	slt.u32 s9, $0xF7A;
	s5 =	simm.s32 @!p2 $0x0  }
0x1d: {  	s5 =	simm.s32 @p1 $0x1;
	p0 =	seq.s32 s7, s2  }
0x1e: {  	s7 =	smul.u32 @!p0 $0xF7A, s2;
	p2 =	seq.s32 @!p0 s5, $0x0  }
0x1f: {  	s9 =	smul.u32 $0xF7A, s1;
	s8 =	simm.s32 @!p0 $0x1BF5;
	p2 =	por !p2, p0  }
0x20: {  	[sflag:s8] =	ssyncset.s32 @!p0 $0xFFFFF086;
	s6 =	sadd.s32 @!p0 s3, s7;
	s7 =	simm.s32 @!p0 $0x108  }
0x21: {  	s3 =	sadd.s32 s3, s9;
	s6 =	sadd.s32 @!p0 $0x88, s6;
	s7 =	simm.s32 @p2 $0x1082  }
0x22: {  	[simem:s7], [sflag:s8] =	dma.local @!p0 [hbm:s6], $0xF7A  }
0x23: {  	s9 =	sor.u32 $0xD0000000, s2;
	s6 =	simm.s32 $0x108;
	_ =	swait.ge @!p0 [sflag:s8], $0x0  }
0x24: {  	s3 =	sadd.s32 $0x88, s3;
	s6 =	simm.s32 @!p1 $0x1082;
	[sflag:s4] =	ssyncset.s32 $0xFFFFF086  }
0x25: {  	[simem:s6], [sflag:s4] =	dma.local [hbm:s3], $0xF7A  }
0x26: {  	[smem:$0x3F9E] =	sst s1;
	(tag) =	ssettag s2;
	_ =	strace s9  }
0x27: {  	s1 =	sld [smem:$0x3FAE]  }
0x28: {  	s2 =	sld [smem:$0x3FAF]  }
0x29: {  	s4 =	sld [smem:$0x3FB1]  }
0x2a: {  	p0 =	seq.s32 s5, $0x0;
	s5 =	sld [smem:$0x3FB2]  }
0x2b: {  	s6 =	sld [smem:$0x3FB3]  }
0x2c: {  	s7 =	sld [smem:$0x3FB4]  }
0x2d: {  	s3 =	simm.s32 $0x108;
	s8 =	sld [smem:$0x3FB5]  }
0x2e: {  	s3 =	simm.s32 @!p0 $0x1082;
	s9 =	sld [smem:$0x3FB6]  }
0x2f: {  	lr =	sadd.s32 s0, s3;
	s0 =	sld [smem:$0x3FAD]  }
0x30: {  	s3 =	sld [smem:$0x3FB0]  }
0x31: {  	[smem:$0x3FB9] =	sst s10  }
0x32: {  	s10 =	sld [smem:$0x3FB7];
	_ =	sdelay $0x3  }
0x33: {  	p0 =	seq.s32 s10, $0x1;
	s10 =	sld [smem:$0x3FB9];
	_ =	sdelay $0x3  }
0x34: {  	[smem:$0x3FB9] =	sst s10  }
0x35: {  	s10 =	sld [smem:$0x3FB8];
	_ =	sdelay $0x3  }
0x36: {  	p1 =	seq.s32 s10, $0x1;
	s10 =	sld [smem:$0x3FB9];
	_ =	sdelay $0x3  }
0x37: {  	[smem:$0x3FB9] =	sst s10  }
0x38: {  	s10 =	sld [smem:$0x3FBA]  }
0x39: {  	_ = 	snop;
	(pc) =	sbr.ind lr, $3  }
0x3a: {  	_ = 	snop  }
0x3b: {  	_ = 	snop  }
0x3c: {  	p2 =	seq.s32 s10, $0x1;
	s10 =	sld [smem:$0x3FB9]  }
0x3d: {  	_ =	shalt  }
0x3e: {  	_ =	shalt  }
0x3f: {  	_ =	shalt  }
0x40: {  	_ =	shalt  }
0x41: {  	_ =	shalt  }
0x42: {  	_ =	shalt  }
0x43: {  	_ =	shalt  }
0x44: {  	_ =	shalt  }
0x45: {  	_ =	shalt  }
0x46: {  	_ =	shalt  }
0x47: {  	_ =	shalt  }
0x48: {  	_ =	shalt  }
0x49: {  	_ =	shalt  }
0x4a: {  	_ =	shalt  }
0x4b: {  	_ =	shalt  }
0x4c: {  	_ =	shalt  }
0x4d: {  	_ =	shalt  }
0x4e: {  	_ =	shalt  }
0x4f: {  	_ =	shalt  }
0x50: {  	_ =	shalt  }
0x51: {  	_ =	shalt  }
0x52: {  	_ =	shalt  }
0x53: {  	_ =	shalt  }
0x54: {  	_ =	shalt  }
0x55: {  	_ =	shalt  }
0x56: {  	_ =	shalt  }
0x57: {  	_ =	shalt  }
0x58: {  	_ =	shalt  }
0x59: {  	_ =	shalt  }
0x5a: {  	_ =	shalt  }
0x5b: {  	_ =	shalt  }
0x5c: {  	_ =	shalt  }
0x5d: {  	_ =	shalt  }
0x5e: {  	_ =	shalt  }
0x5f: {  	_ =	shalt  }
0x60: {  	_ =	shalt  }
0x61: {  	_ =	shalt  }
0x62: {  	_ =	shalt  }
0x63: {  	_ =	shalt  }
0x64: {  	_ =	shalt  }
0x65: {  	_ =	shalt  }
0x66: {  	_ =	shalt  }
0x67: {  	_ =	shalt  }
0x68: {  	_ =	shalt  }
0x69: {  	_ =	shalt  }
0x6a: {  	_ =	shalt  }
0x6b: {  	_ =	shalt  }
0x6c: {  	_ =	shalt  }
0x6d: {  	_ =	shalt  }
0x6e: {  	_ =	shalt  }
0x6f: {  	_ =	shalt  }
0x70: {  	_ =	shalt  }
0x71: {  	_ =	shalt  }
0x72: {  	_ =	shalt  }
0x73: {  	_ =	shalt  }
0x74: {  	_ =	shalt  }
0x75: {  	_ =	shalt  }
0x76: {  	_ =	shalt  }
0x77: {  	_ =	shalt  }
0x78: {  	_ =	shalt  }
0x79: {  	_ =	shalt  }
0x7a: {  	_ =	shalt  }
0x7b: {  	_ =	shalt  }
0x7c: {  	_ =	shalt  }
0x7d: {  	_ =	shalt  }
0x7e: {  	_ =	shalt  }
0x7f: {  	_ =	shalt  }
0x80: {  	_ =	shalt  }
0x81: {  	_ =	shalt  }
0x82: {  	_ =	shalt  }
0x83: {  	_ =	shalt  }
0x84: {  	_ =	shalt  }
0x85: {  	_ =	shalt  }
0x86: {  	_ =	shalt  }
0x87: {  	_ =	shalt  }
.Lfunc_end0:
.L_simem_size_0:
called_computation_lowered:
.L_overlay_start_0:
0x88: {  	s2 =	sld [smem:$0x3FD9]  }
0x89: {  	s3 =	sld [smem:$0x3FFE];
	_ =	sdelay $0x1  }
0x8a: {  	s1 =	srdreg.scid  }
0x8b: {  	s0 =	sand.u32 $0x1, s1  }
0x8c: {  	s16 =	sshll.u32 s0, $0xA;
	s2 =	sadd.s32 s3, s2  }
0x8d: {  	s2 =	sadd.s32 s2, s16  }
0x8e: {  	[smem:$0x3FC5] =	sst s2  }
0x8f: {  	_ = 	snop  }
0x90: {  	(tm) =	ssettm $0x1  }
0x91: {  	s17 =	sld [smem:$0x3FFB];
	_ =	sdelay $0x3  }
0x92: {  	_ =	strace s17  }
0x93: {  	s2 =	sld [smem:$0x3FFC];
	_ =	sdelay $0x3  }
0x94: {  	_ =	strace s2  }
0x95: {  	s2 =	sld [smem:$0x3FFD];
	_ =	sdelay $0x3  }
0x96: {  	_ =	strace s2  }
0x97: {  	_ =	strace $0x8FFFFFFF  }
0x98: {  	s18 =	sld [smem:$0x3FDB];
	_ =	sdelay $0x1  }
0x99: {  	s19 =	simm.s32 $_scs_section_size  }
0x9a: {  	s4 =	simm.s32 $_size__tile_overlayer_lowered;
	s5 =	simm.s32 $_tile_overlayer_lowered  }
0x9b: {  	s22 =	simm.s32 $0x1BFF;
	s21 =	sshll.u32 s5, $0x1;
	s2 =	sadd.s32 s19, s18  }
0x9c: {  	s6 =	simm.s32 $0x0;
	s20 =	sshll.u32 s4, $0x1;
	s4 =	sadd.s32 s21, s2  }
0x9d: {  	[timem:s6], [sflag:s22] =	dma.local [hbm:s4], s20  }
0x9e: {  	_ =	swait.ge [sflag:s22], s20  }
0x9f: {  	s3 =	ssub.s32 $0x0, s20;
	[sflag:s22] =	ssyncset.done $0x0  }
0xa0: {  	[sflag:s22] =	ssyncadd.s32 s3;
	_ =	sdelay $0x1  }
0xa1: {  	s23 =	simm.s32 $0x1B8B  }
0xa2: {  	_ =	swait.ge [sflag:s23], $0x1  }
0xa3: {  	[sflag:s23] =	ssyncset.done $0x0  }
0xa4: {  	s25 =	simm.s32 $0x1B8E;
	s24 =	sld [smem:$0x3FFE];
	[sflag:s23] =	ssyncadd.s32 $0xFFFFFFFF  }
0xa5: {  	s26 =	simm.s32 $execute0_lowered;
	[smem:$0x3FD2] =	sst s25  }
0xa6: {  	s4 =	sshll.u32 s26, $0x1;
	_ =	strace $0x80000046;
	[dreg:$0x1] =	wrdreg $0xFFFFFFFF  }
0xa7: {  	s28 =	simm.s32 $_size_execute0_lowered;
	s2 =	sadd.s32 s2, s4;
	[dreg:$0x0] =	wrdreg $0x0  }
0xa8: {  	s4 =	sshll.u32 s28, $0x1;
	[dreg:$0x2] =	wrdreg s2  }
0xa9: {  	[dreg:$0x3] =	wrdreg s4  }
0xaa: {  	[dreg:$0x4] =	wrdreg $0xC0  }
0xab: {  	_ =	task [dreg:s6], $0x5FFFF  }
0xac: {  	[dreg:$0x1] =	wrdreg $0xFFFFFFFF  }
0xad: {  	[dreg:$0x0] =	wrdreg $0x60  }
0xae: {  	[dreg:$0x2] =	wrdreg s24  }
0xaf: {  	[dreg:$0x3] =	wrdreg $0x9  }
0xb0: {  	_ =	task.clear_ibuf [dreg:s6], $0x4FFFF;
	_ =	strace $0x90000046  }
0xb1: {  	s29 =	simm.s32 $0x9;
	_ =	strace $0x80000048  }
0xb2: {  	_ =	swait.ge [sflag:s29], $0x1  }
0xb3: {  	[sflag:s29] =	ssyncadd.s32 $0xFFFFFFFF  }
0xb4: {  	_ =	strace $0x90000048  }
0xb5: {  	_ =	sfence  }
0xb6: {  	s30 =	sld [smem:$0x0];
	_ =	sdelay $0x2  }
0xb7: {  	s31 =	sshll.u32 s1, $0xD;
	s1 =	sshrl.u32 s1, $0x2  }
0xb8: {  	s3 =	sand.u32 $0x4000, s31;
	s1 =	sadd.s32 s1, s30  }
0xb9: {  	s0 =	sor.u32 s3, s0;
	s1 =	sshll.u32 s1, $0x11  }
0xba: {  	s0 =	sor.u32 s1, s0  }
0xbb: {  	s0 =	sadd.s32 $0x8F2B, s0  }
0xbc: {  	[sflag:s0] =	ssyncadd.remote.s32 $0x1  }
0xbd: {  	_ =	sfence.sel $0xFFFF  }
0xbe: {  	[dreg:$0x0] =	wrdreg $0xFFFFFFFF;
	(pc) =	sbr.abs _section_cstart, $3  }
0xbf: {  	[dreg:$0x1] =	wrdreg $0xFFFFFFFF  }
0xc0: {  	_ =	task.clear_ibuf [dreg:s6], $0x2FFFF;
	_ =	strace $0x9FFFFFFF  }
0xc1: {  	(tm) =	ssettm $0x7FFFFFFF  }
tec
execute0_lowered:
.L_overlay_start_1:
0x0: {  	(tag) =	ssettag $0x1  }
0x1: {  	s1 =	srdreg.scid;
	s0 =	stileid.u32  }
0x2: {  	s3 =	rddreg [dreg:$0x0];
	s2 =	simm.s32 $0x0;
	s8 =	simm.s32 $0x1000  }
0x3: {  	s9 =	simm.s32 $0x2000;
	s4 =	sand.u32 $0x1, s1;
	s5 =	sshll.u32 s0, $0x1  }
0x4: {  	s10 =	simm.s32 $0x80;
	s11 =	simm.s32 $0x400;
	s5 =	sor.u32 s4, s5  }
0x5: {  	[smem:$0x7FF] =	sst s2;
	s6 =	sshll.u32 s0, $0xA;
	s7 =	sshll.u32 s5, $0x4  }
0x6: {  	s1 =	rddreg [dreg:$0x1];
	_ =	strace $0x80000047;
	s6 =	sor.u32 s6, s7  }
0x7: {  	s4 =	ssub.s32 $0x2, s4;
	s5 =	sshll.u32 s5, $0xD;
	s6 =	sand.u32 $0x3070, s6  }
0x8: {  	s31 =	sshrl.u32 s4, $0x1;
	s5 =	sadd.s32 s5, s3;
	s6 =	sadd.s32 s6, s3  }
0x9: {  	s7 =	ssub.s32 s4, s31;
	s3 =	sadd.s32 $0x1C00, s5;
	s4 =	sadd.s32 $0x41C00, s6  }
0xa: {  	v0 =	vimm.f32 $0.0e+00;
	v1 =	vimm.f32 $1.000000000e+00;
	s5 =	sadd.s32 $0x45C00, s6;
	s6 =	smax.u32 s7, $0x1;
	s7 =	simm.s32 $0x1  }
.LBB2_1:
0xb: {  	s12 =	simm.s32 $0x40;
	s13 =	simm.s32 $0x0  }
.LBB2_2:
0xc: {  	p0 =	sne.s32 s12, $0x3FC0;
	[tilespmem:s13+$0x1000] =	vst v0;
	s14 =	smov.u32 s12;
	s12 =	sadd.s32 $0x40, s12  }
.Ltmp0:
0xd: {  	[tilespmem:s13+$0x2000] =	vst v0;
	(pc) =	sbr.rel @p0 .LBB2_2-.Ltmp0, $2  }
0xe: {  	_ =	sdelay $0x2  }
0xf: {  	s13 =	sshra.s32 s14, $0x2  }
0x10: {  	[tilespmem:s13+$0x1000] =	vst v0  }
0x11: {  	s12 =	simm.s32 $0x0;
	[tilespmem:s13+$0x2000] =	vst v0;
	s13 =	simm.s32 $0x0  }
.LBB2_4:
0x12: {  	s14 =	sshll.u32 s13, $0x9  }
0x13: {  	s14 =	sadd.s32 s14, s3  }
0x14: {  	[tilespmem:s12], [sflag:$0x1] =	stream.linear.gather [hbm4b:s14+s12], $0x1000, $0x38;
	[tilespmem:$0x3000] =	vst v63  }
0x15: {  	_ =	swait.ge [sflag:s7], $0x1000  }
0x16: {  	[sflag:s7] =	ssyncset.done $0x0  }
0x17: {  	s14 =	simm.s32 $0x0;
	[sflag:s7] =	ssyncadd.s32 $0xFFFFF000  }
.LBB2_5:
0x18: {  	s15 =	sshra.s32 s14, $0x2  }
0x19: {  	v2 =	vld [tilespmem:s15+$0x0];
	_ =	sdelay $0x4  }
0x1a: {  	vm0 =	vgt.f32 v2, $0.0e+00  }
0x1b: {  	v3 =	vshrl.u32 v2, $0x13;
	_ =	sdelay $0x4  }
0x1c: {  	[tilespmem:v3+s8+$0x0] =	vst.idx.add.f32.msk vm0, v1  }
0x1d: {  	[tilespmem:v3+s9+$0x0] =	vst.idx.add.f32.msk vm0, v2  }
0x1e: {  	v2 =	vld [tilespmem:s15+$0x10];
	_ =	sdelay $0x4  }
0x1f: {  	vm13 =	vgt.f32 v2, $0.0e+00  }
0x20: {  	v3 =	vshrl.u32 v2, $0x13;
	_ =	sdelay $0x4  }
0x21: {  	[tilespmem:v3+s8+$0x0] =	vst.idx.add.f32.msk vm13, v1  }
0x22: {  	[tilespmem:v3+s9+$0x0] =	vst.idx.add.f32.msk vm13, v2  }
0x23: {  	v2 =	vld [tilespmem:s15+$0x20];
	_ =	sdelay $0x4  }
0x24: {  	vm14 =	vgt.f32 v2, $0.0e+00  }
0x25: {  	v3 =	vshrl.u32 v2, $0x13;
	_ =	sdelay $0x4  }
0x26: {  	[tilespmem:v3+s8+$0x0] =	vst.idx.add.f32.msk vm14, v1  }
0x27: {  	[tilespmem:v3+s9+$0x0] =	vst.idx.add.f32.msk vm14, v2  }
0x28: {  	v2 =	vld [tilespmem:s15+$0x30];
	_ =	sdelay $0x4  }
0x29: {  	vm15 =	vgt.f32 v2, $0.0e+00  }
0x2a: {  	v3 =	vshrl.u32 v2, $0x13  }
0x2b: {  	p0 =	sne.s32 s14, $0x3F00  }
.Ltmp1:
0x2c: {  	_ = 	snop;
	(pc) =	sbr.rel @p0 .LBB2_5-.Ltmp1, $3  }
0x2d: {  	_ =	sdelay $0x1  }
0x2e: {  	[tilespmem:v3+s8+$0x0] =	vst.idx.add.f32.msk vm15, v1  }
0x2f: {  	s14 =	sadd.s32 $0x100, s14;
	[tilespmem:v3+s9+$0x0] =	vst.idx.add.f32.msk vm15, v2  }
0x30: {  	s13 =	sadd.s32 $0x1, s13  }
0x31: {  	p0 =	sne.s32 s13, $0x10  }
.Ltmp2:
0x32: {  	_ = 	snop;
	(pc) =	sbr.rel @p0 .LBB2_4-.Ltmp2, $1  }
0x33: {  	_ =	sdelay $0x3  }
0x34: {  	[hbm4b:s4+s10] =	stream.strided.scatter [tilespmem:s8], [sflag:$0x1], $0x1000, s11, s10, $0x38;
	[tilespmem:$0x3000] =	vst v63  }
0x35: {  	s2 =	sadd.s32 $0x1, s2;
	_ =	swait.ge [sflag:s7], $0x1000  }
0x36: {  	p0 =	sne.s32 s2, s6;
	[sflag:s7] =	ssyncset.done $0x0  }
.Ltmp3:
0x37: {  	[sflag:s7] =	ssyncadd.s32 $0xFFFFF000;
	(pc) =	sbr.rel @p0 .LBB2_1-.Ltmp3, $4  }
0x38: {  	[hbm4b:s5+s10] =	stream.strided.scatter [tilespmem:s9], [sflag:$0x1], $0x1000, s11, s10, $0x38;
	[tilespmem:$0x3000] =	vst v63  }
0x39: {  	_ =	swait.ge [sflag:s7], $0x1000  }
0x3a: {  	[sflag:s7] =	ssyncset.done $0x0  }
0x3b: {  	[sflag:s7] =	ssyncadd.s32 $0xFFFFF000  }
0x3c: {  	_ =	sfence.sel $0x180000  }
0x3d: {  	[bflag:$0x0] =	sbarrier.arrive $0xFFFF  }
0x3e: {  	p0 =	sne.s32 s0, $0x0;
	_ =	strace $0x90000047  }
0x3f: {  	s0 =	sadd.s32 @!p0 $0x100000, s1;
	[bflag:$0x2] =	sbarrier.arrive $0xFFFF  }
0x40: {  	[sflag:s0] =	ssyncadd.tile.s32 @!p0 $0x1;
	_ =	shalt  }
.Lfunc_end2:
_tile_overlayer_lowered:
.L_overlay_start_2:
0x41: {  	(tag) =	ssettag $0x2  }
0x42: {  	s0 =	rddreg [dreg:$0x0];
	s2 =	stileid.u32  }
0x43: {  	s1 =	rddreg [dreg:$0x1];
	p0 =	sne.s32 s2, $0x0  }
0x44: {  	s3 =	rddreg [dreg:$0x2];
	[bflag:$0x3] =	sbarrier.arrive $0xFFFF;
	s2 =	simm.s32 @!p0 $0x1C01  }
0x45: {  	[timem:s3], [sflag:s2] =	dma.local @!p0 [hbm:s0], s1  }
0x46: {  	s0 =	simm.s32 @!p0 $0x1  }
0x47: {  	_ =	swait.ge @!p0 [sflag:s0], s1  }
0x48: {  	s1 =	ssub.s32 @!p0 $0x0, s1;
	[sflag:s0] =	ssyncset.done @!p0 $0x0  }
0x49: {  	[sflag:s0] =	ssyncadd.s32 @!p0 s1  }
0x4a: {  	[bflag:$0x3] =	sbarrier.arrive $0xFFFF  }
0x4b: {  	_ =	shalt  }

</sc_bundles>
